<compile_context>
chip_gen: v7x
topology: tpu7x:2x2x1
jax: 0.10.2.dev20260603
libtpu: 0.0.44.dev20260713+nightly
codegen_flags: <defaults>
</compile_context>

<pallas_src>
import functools

import jax
import jax.numpy as jnp
from jax import lax
from jax.experimental import pallas as pl
from jax.experimental.pallas import tpu as pltpu
from jax.experimental.pallas import tpu_sc as plsc

COMMITMENT_COST = 0.25

_BLK = 2304


def _fused_body(x_ref, w_ref, enc_ref, idx_ref, dsum_ref):
    x = x_ref[...]
    w = w_ref[...]
    blk, d_dim = x.shape
    k_dim = w.shape[0]
    xn = jnp.sum(x * x, axis=1, keepdims=True)
    wn = jnp.sum(w * w, axis=1)
    mm2 = lax.dot_general(x, w + w, (((1,), (1,)), ((), ())),
                          preferred_element_type=jnp.float32)
    dist = (xn + wn[None, :]) - mm2
    m = jnp.min(dist, axis=1, keepdims=True)
    ks = lax.broadcasted_iota(jnp.int32, (blk, k_dim), 1)
    idx = jnp.min(jnp.where(dist == m, ks, k_dim), axis=1)
    enc_ref[...] = (ks == idx[:, None]).astype(jnp.float32)
    idx_ref[...] = idx[:, None]
    dsum_ref[0, 0, 0] = jnp.sum(m)


def _fused_stage(flat, weight):
    n, d_dim = flat.shape
    k_dim = weight.shape[0]
    grid = n // _BLK
    return pl.pallas_call(
        _fused_body,
        grid=(grid,),
        in_specs=[
            pl.BlockSpec((_BLK, d_dim), lambda i: (i, 0)),
            pl.BlockSpec((k_dim, d_dim), lambda i: (0, 0)),
        ],
        out_specs=[
            pl.BlockSpec((_BLK, k_dim), lambda i: (i, 0)),
            pl.BlockSpec((_BLK, 1), lambda i: (i, 0)),
            pl.BlockSpec((1, 1, 1), lambda i: (i, 0, 0),
                         memory_space=pltpu.SMEM),
        ],
        out_shape=[
            jax.ShapeDtypeStruct((n, k_dim), jnp.float32),
            jax.ShapeDtypeStruct((n, 1), jnp.int32),
            jax.ShapeDtypeStruct((grid, 1, 1), jnp.float32),
        ],
    )(flat, weight)


def _make_sc_gather(n, k_dim, d_dim):
    info = plsc.get_sparse_core_info()
    nw = info.num_cores * info.num_subcores
    bpw = n // nw
    nchunk = -(-bpw // 96)
    chunk = bpw // nchunk
    assert chunk * nchunk == bpw and chunk % 8 == 0 and chunk <= 128
    mesh = plsc.VectorSubcoreMesh(core_axis_name="c", subcore_axis_name="s")

    @functools.partial(
        pl.kernel, mesh=mesh,
        out_type=jax.ShapeDtypeStruct((n, d_dim), jnp.float32),
        scratch_types=[
            pltpu.VMEM((nchunk, chunk), jnp.int32),
            pltpu.VMEM((bpw, d_dim), jnp.float32),
            pltpu.SemaphoreType.DMA,
            pltpu.SemaphoreType.DMA,
        ],
    )
    def sc_gather(w_hbm, idx_hbm, out_hbm, idx_v, rows_v, gsem, wsem):
        wid = lax.axis_index("s") * info.num_cores + lax.axis_index("c")
        base = wid * bpw
        icopies = [
            pltpu.async_copy(idx_hbm.at[pl.ds(base + j * chunk, chunk)],
                             idx_v.at[j], wsem)
            for j in range(nchunk)
        ]
        for c in icopies:
            c.wait()
        gathers = [
            pltpu.async_copy(w_hbm.at[idx_v.at[j]],
                             rows_v.at[pl.ds(j * chunk, chunk)], gsem)
            for j in range(nchunk)
        ]
        writes = []
        for j in range(nchunk):
            gathers[j].wait()
            writes.append(
                pltpu.async_copy(rows_v.at[pl.ds(j * chunk, chunk)],
                                 out_hbm.at[pl.ds(base + j * chunk, chunk)],
                                 wsem))
        for c in writes:
            c.wait()

    return sc_gather


def kernel(inputs, weight):
    input_shape = inputs.shape
    k_dim, d_dim = weight.shape
    flat = inputs.reshape(-1, d_dim)
    n = flat.shape[0]

    enc, idx, dsum = _fused_stage(flat, weight)
    quantized = _make_sc_gather(n, k_dim, d_dim)(weight, idx.reshape(-1))

    mse = jnp.sum(dsum) / (n * d_dim)
    loss = mse + COMMITMENT_COST * mse
    return (quantized.reshape(input_shape),
            enc.reshape(input_shape[:-1] + (k_dim,)),
            loss, mse, mse)

# --- scband reference (transcript-rebuilt; emitter-appended) ---
"""Pipeline reference for scband-vector-quantizer-11854109737195 (READ-ONLY COPY).

The authoritative reference and input builder live on the scoring server;
editing this copy changes nothing except your own understanding.
"""

import jax, jax.numpy as jnp
import numpy as np

NUM_EMBEDDINGS = 1024
EMBEDDING_DIM = 256
COMMITMENT_COST = 0.25


def setup_inputs(seed: int = 0) -> dict:
    key = jax.random.key(seed)
    k1, k2 = jax.random.split(key)
    inputs = jax.random.normal(k1, (16, 576, 256), dtype=jnp.float32)
    # codebook initialized uniform(-1/K, 1/K) as in the torch module
    weight = jax.random.uniform(k2, (NUM_EMBEDDINGS, EMBEDDING_DIM), dtype=jnp.float32,
                                minval=-1.0 / NUM_EMBEDDINGS, maxval=1.0 / NUM_EMBEDDINGS)
    return {"inputs": inputs, "weight": weight}


def reference(inputs, weight):
    input_shape = inputs.shape
    K, D = weight.shape
    flat_input = inputs.reshape(-1, D)
    distances = (jnp.sum(flat_input ** 2, axis=1, keepdims=True)
                 + jnp.sum(weight ** 2, axis=1)
                 - 2.0 * jnp.matmul(flat_input, weight.T))
    encoding_indices = jnp.argmin(distances, axis=1)
    encodings = jax.nn.one_hot(encoding_indices, K, dtype=jnp.float32)
    quantized = jnp.take(weight, encoding_indices, axis=0)
    codebook_loss = jnp.mean((jax.lax.stop_gradient(quantized) - flat_input) ** 2)
    commitment_loss = jnp.mean((quantized - jax.lax.stop_gradient(flat_input)) ** 2)
    loss = codebook_loss + COMMITMENT_COST * commitment_loss
    quantized_st = flat_input + jax.lax.stop_gradient(quantized - flat_input)
    quantized_st = quantized_st.reshape(input_shape)
    encodings = encodings.reshape(input_shape[:-1] + (K,))
    return quantized_st, encodings, loss, codebook_loss, commitment_loss

if __name__ == "__main__":
    import jax
    _d = setup_inputs()
    print(jax.jit(kernel)(*tuple(_d.values())))

</pallas_src>

<mosaic_0001>
#map = affine_map<(d0, d1) -> (0, 0)>
#map1 = affine_map<(d0, d1) -> (0)>
module attributes {stable_mosaic.version = 14 : i64} {
  func.func @sc_gather(%arg0: i32, %arg1: i32, %arg2: memref<1024x256xf32, #tpu.memory_space<hbm>>, %arg3: memref<9216xi32, #tpu.memory_space<hbm>>, %arg4: memref<9216x256xf32, #tpu.memory_space<hbm>>, %arg5: memref<3x96xi32, #tpu.memory_space<vmem>>, %arg6: memref<288x256xf32, #tpu.memory_space<vmem>>, %arg7: memref<!tpu.dma_semaphore, #tpu.memory_space<semaphore_mem>>, %arg8: memref<!tpu.dma_semaphore, #tpu.memory_space<semaphore_mem>>) attributes {dimension_semantics = [#tpu.dimension_semantics<core_parallel>, #tpu.dimension_semantics<subcore_parallel>], iteration_bounds = array<i64: 2, 16>, scalar_prefetch = 0 : i64, scratch_operands = 4 : i64, tpu.core_type = #tpu.core_type<sc_vector_subcore>, window_params = [{transform_indices = #map}, {transform_indices = #map1}, {transform_indices = #map}]} {
    %mul3A = arith.constant 2 : i32
    %mul3A_0 = arith.muli %arg1, %mul3A : i32
    %add3A = arith.addi %mul3A_0, %arg0 : i32
    %mul3A_1 = arith.constant 288 : i32
    %mul3A_2 = arith.muli %add3A, %mul3A_1 : i32
    %add3A_3 = arith.constant 0 : i32
    %add3A_4 = arith.addi %mul3A_2, %add3A_3 : i32
    %dma_start3A = arith.constant 0 : i32
    %dma_start3A_5 = arith.constant 0 : i32
    %dma_start3A_6 = tpu.memref_slice %arg5[%dma_start3A, %dma_start3A_5] : memref<3x96xi32, #tpu.memory_space<vmem>> -> memref<1x96xi32, #tpu.memory_space<vmem>>
    %dma_start3A_7 = tpu.memref_squeeze %dma_start3A_6 : memref<1x96xi32, #tpu.memory_space<vmem>> -> memref<96xi32, #tpu.memory_space<vmem>>
    %dma_start3A_8 = tpu.memref_slice %arg3[%add3A_4] : memref<9216xi32, #tpu.memory_space<hbm>> -> memref<96xi32, #tpu.memory_space<hbm>>
    %dma_start3A_9 = arith.constant 0 : i32
    %dma_start3A_10 = tpu.memref_slice %arg5[%dma_start3A, %dma_start3A_9] : memref<3x96xi32, #tpu.memory_space<vmem>> -> memref<1x96xi32, #tpu.memory_space<vmem>>
    %dma_start3A_11 = tpu.memref_squeeze %dma_start3A_10 : memref<1x96xi32, #tpu.memory_space<vmem>> -> memref<96xi32, #tpu.memory_space<vmem>>
    %dma_start3A_12 = tpu.memref_slice %arg3[%add3A_4] : memref<9216xi32, #tpu.memory_space<hbm>> -> memref<96xi32, #tpu.memory_space<hbm>>
    tpu.enqueue_dma source(%dma_start3A_12 : memref<96xi32, #tpu.memory_space<hbm>>) target(%dma_start3A_11 : memref<96xi32, #tpu.memory_space<vmem>>) target_semaphore(%arg8 : memref<!tpu.dma_semaphore, #tpu.memory_space<semaphore_mem>>)
    %add3A_13 = arith.constant 96 : i32
    %add3A_14 = arith.addi %mul3A_2, %add3A_13 : i32
    %dma_start3A_15 = arith.constant 1 : i32
    %dma_start3A_16 = arith.constant 0 : i32
    %dma_start3A_17 = tpu.memref_slice %arg5[%dma_start3A_15, %dma_start3A_16] : memref<3x96xi32, #tpu.memory_space<vmem>> -> memref<1x96xi32, #tpu.memory_space<vmem>>
    %dma_start3A_18 = tpu.memref_squeeze %dma_start3A_17 : memref<1x96xi32, #tpu.memory_space<vmem>> -> memref<96xi32, #tpu.memory_space<vmem>>
    %dma_start3A_19 = tpu.memref_slice %arg3[%add3A_14] : memref<9216xi32, #tpu.memory_space<hbm>> -> memref<96xi32, #tpu.memory_space<hbm>>
    %dma_start3A_20 = arith.constant 0 : i32
    %dma_start3A_21 = tpu.memref_slice %arg5[%dma_start3A_15, %dma_start3A_20] : memref<3x96xi32, #tpu.memory_space<vmem>> -> memref<1x96xi32, #tpu.memory_space<vmem>>
    %dma_start3A_22 = tpu.memref_squeeze %dma_start3A_21 : memref<1x96xi32, #tpu.memory_space<vmem>> -> memref<96xi32, #tpu.memory_space<vmem>>
    %dma_start3A_23 = tpu.memref_slice %arg3[%add3A_14] : memref<9216xi32, #tpu.memory_space<hbm>> -> memref<96xi32, #tpu.memory_space<hbm>>
    tpu.enqueue_dma source(%dma_start3A_23 : memref<96xi32, #tpu.memory_space<hbm>>) target(%dma_start3A_22 : memref<96xi32, #tpu.memory_space<vmem>>) target_semaphore(%arg8 : memref<!tpu.dma_semaphore, #tpu.memory_space<semaphore_mem>>)
    %add3A_24 = arith.constant 192 : i32
    %add3A_25 = arith.addi %mul3A_2, %add3A_24 : i32
    %dma_start3A_26 = arith.constant 2 : i32
    %dma_start3A_27 = arith.constant 0 : i32
    %dma_start3A_28 = tpu.memref_slice %arg5[%dma_start3A_26, %dma_start3A_27] : memref<3x96xi32, #tpu.memory_space<vmem>> -> memref<1x96xi32, #tpu.memory_space<vmem>>
    %dma_start3A_29 = tpu.memref_squeeze %dma_start3A_28 : memref<1x96xi32, #tpu.memory_space<vmem>> -> memref<96xi32, #tpu.memory_space<vmem>>
    %dma_start3A_30 = tpu.memref_slice %arg3[%add3A_25] : memref<9216xi32, #tpu.memory_space<hbm>> -> memref<96xi32, #tpu.memory_space<hbm>>
    %dma_start3A_31 = arith.constant 0 : i32
    %dma_start3A_32 = tpu.memref_slice %arg5[%dma_start3A_26, %dma_start3A_31] : memref<3x96xi32, #tpu.memory_space<vmem>> -> memref<1x96xi32, #tpu.memory_space<vmem>>
    %dma_start3A_33 = tpu.memref_squeeze %dma_start3A_32 : memref<1x96xi32, #tpu.memory_space<vmem>> -> memref<96xi32, #tpu.memory_space<vmem>>
    %dma_start3A_34 = tpu.memref_slice %arg3[%add3A_25] : memref<9216xi32, #tpu.memory_space<hbm>> -> memref<96xi32, #tpu.memory_space<hbm>>
    tpu.enqueue_dma source(%dma_start3A_34 : memref<96xi32, #tpu.memory_space<hbm>>) target(%dma_start3A_33 : memref<96xi32, #tpu.memory_space<vmem>>) target_semaphore(%arg8 : memref<!tpu.dma_semaphore, #tpu.memory_space<semaphore_mem>>)
    %dma_wait3A = arith.constant 0 : i32
    %dma_wait3A_35 = arith.constant 0 : i32
    %dma_wait3A_36 = tpu.memref_slice %arg5[%dma_wait3A, %dma_wait3A_35] : memref<3x96xi32, #tpu.memory_space<vmem>> -> memref<1x96xi32, #tpu.memory_space<vmem>>
    %dma_wait3A_37 = tpu.memref_squeeze %dma_wait3A_36 : memref<1x96xi32, #tpu.memory_space<vmem>> -> memref<96xi32, #tpu.memory_space<vmem>>
    %dma_wait3A_38 = tpu.memref_slice %arg3[%add3A_4] : memref<9216xi32, #tpu.memory_space<hbm>> -> memref<96xi32, #tpu.memory_space<hbm>>
    %dma_wait3A_39 = arith.constant 0 : i32
    %dma_wait3A_40 = tpu.memref_slice %arg5[%dma_wait3A, %dma_wait3A_39] : memref<3x96xi32, #tpu.memory_space<vmem>> -> memref<1x96xi32, #tpu.memory_space<vmem>>
    %dma_wait3A_41 = tpu.memref_squeeze %dma_wait3A_40 : memref<1x96xi32, #tpu.memory_space<vmem>> -> memref<96xi32, #tpu.memory_space<vmem>>
    %dma_wait3A_42 = tpu.memref_slice %arg3[%add3A_4] : memref<9216xi32, #tpu.memory_space<hbm>> -> memref<96xi32, #tpu.memory_space<hbm>>
    tpu.wait_dma2 semaphore(%arg8 : memref<!tpu.dma_semaphore, #tpu.memory_space<semaphore_mem>>) src(%dma_wait3A_42 : memref<96xi32, #tpu.memory_space<hbm>>) dst(%dma_wait3A_41 : memref<96xi32, #tpu.memory_space<vmem>>)
    %dma_wait3A_43 = arith.constant 1 : i32
    %dma_wait3A_44 = arith.constant 0 : i32
    %dma_wait3A_45 = tpu.memref_slice %arg5[%dma_wait3A_43, %dma_wait3A_44] : memref<3x96xi32, #tpu.memory_space<vmem>> -> memref<1x96xi32, #tpu.memory_space<vmem>>
    %dma_wait3A_46 = tpu.memref_squeeze %dma_wait3A_45 : memref<1x96xi32, #tpu.memory_space<vmem>> -> memref<96xi32, #tpu.memory_space<vmem>>
    %dma_wait3A_47 = tpu.memref_slice %arg3[%add3A_14] : memref<9216xi32, #tpu.memory_space<hbm>> -> memref<96xi32, #tpu.memory_space<hbm>>
    %dma_wait3A_48 = arith.constant 0 : i32
    %dma_wait3A_49 = tpu.memref_slice %arg5[%dma_wait3A_43, %dma_wait3A_48] : memref<3x96xi32, #tpu.memory_space<vmem>> -> memref<1x96xi32, #tpu.memory_space<vmem>>
    %dma_wait3A_50 = tpu.memref_squeeze %dma_wait3A_49 : memref<1x96xi32, #tpu.memory_space<vmem>> -> memref<96xi32, #tpu.memory_space<vmem>>
    %dma_wait3A_51 = tpu.memref_slice %arg3[%add3A_14] : memref<9216xi32, #tpu.memory_space<hbm>> -> memref<96xi32, #tpu.memory_space<hbm>>
    tpu.wait_dma2 semaphore(%arg8 : memref<!tpu.dma_semaphore, #tpu.memory_space<semaphore_mem>>) src(%dma_wait3A_51 : memref<96xi32, #tpu.memory_space<hbm>>) dst(%dma_wait3A_50 : memref<96xi32, #tpu.memory_space<vmem>>)
    %dma_wait3A_52 = arith.constant 2 : i32
    %dma_wait3A_53 = arith.constant 0 : i32
    %dma_wait3A_54 = tpu.memref_slice %arg5[%dma_wait3A_52, %dma_wait3A_53] : memref<3x96xi32, #tpu.memory_space<vmem>> -> memref<1x96xi32, #tpu.memory_space<vmem>>
    %dma_wait3A_55 = tpu.memref_squeeze %dma_wait3A_54 : memref<1x96xi32, #tpu.memory_space<vmem>> -> memref<96xi32, #tpu.memory_space<vmem>>
    %dma_wait3A_56 = tpu.memref_slice %arg3[%add3A_25] : memref<9216xi32, #tpu.memory_space<hbm>> -> memref<96xi32, #tpu.memory_space<hbm>>
    %dma_wait3A_57 = arith.constant 0 : i32
    %dma_wait3A_58 = tpu.memref_slice %arg5[%dma_wait3A_52, %dma_wait3A_57] : memref<3x96xi32, #tpu.memory_space<vmem>> -> memref<1x96xi32, #tpu.memory_space<vmem>>
    %dma_wait3A_59 = tpu.memref_squeeze %dma_wait3A_58 : memref<1x96xi32, #tpu.memory_space<vmem>> -> memref<96xi32, #tpu.memory_space<vmem>>
    %dma_wait3A_60 = tpu.memref_slice %arg3[%add3A_25] : memref<9216xi32, #tpu.memory_space<hbm>> -> memref<96xi32, #tpu.memory_space<hbm>>
    tpu.wait_dma2 semaphore(%arg8 : memref<!tpu.dma_semaphore, #tpu.memory_space<semaphore_mem>>) src(%dma_wait3A_60 : memref<96xi32, #tpu.memory_space<hbm>>) dst(%dma_wait3A_59 : memref<96xi32, #tpu.memory_space<vmem>>)
    %dma_start3A_61 = arith.constant 0 : i32
    %dma_start3A_62 = arith.constant 0 : i32
    %dma_start3A_63 = arith.constant 0 : i32
    %dma_start3A_64 = tpu.memref_slice %arg6[%dma_start3A_62, %dma_start3A_63] : memref<288x256xf32, #tpu.memory_space<vmem>> -> memref<96x256xf32, #tpu.memory_space<vmem>>
    %dma_start3A_65 = arith.constant 0 : i32
    %dma_start3A_66 = tpu.memref_slice %arg5[%dma_start3A_61, %dma_start3A_65] : memref<3x96xi32, #tpu.memory_space<vmem>> -> memref<1x96xi32, #tpu.memory_space<vmem>>
    %dma_start3A_67 = tpu.memref_squeeze %dma_start3A_66 : memref<1x96xi32, #tpu.memory_space<vmem>> -> memref<96xi32, #tpu.memory_space<vmem>>
    %dma_start3A_68 = arith.constant 0 : i32
    %dma_start3A_69 = arith.constant 0 : i32
    %dma_start3A_70 = tpu.memref_slice %arg2[%dma_start3A_68, %dma_start3A_69] : memref<1024x256xf32, #tpu.memory_space<hbm>> -> memref<1024x256xf32, #tpu.memory_space<hbm>>
    tpu.enqueue_indirect_dma source(%dma_start3A_70 : memref<1024x256xf32, #tpu.memory_space<hbm>>) target(%dma_start3A_64 : memref<96x256xf32, #tpu.memory_space<vmem>>) offsets(%dma_start3A_67 : memref<96xi32, #tpu.memory_space<vmem>>) semaphore(%arg7 : memref<!tpu.dma_semaphore, #tpu.memory_space<semaphore_mem>>)
    %dma_start3A_71 = arith.constant 1 : i32
    %dma_start3A_72 = arith.constant 96 : i32
    %dma_start3A_73 = arith.constant 0 : i32
    %dma_start3A_74 = tpu.memref_slice %arg6[%dma_start3A_72, %dma_start3A_73] : memref<288x256xf32, #tpu.memory_space<vmem>> -> memref<96x256xf32, #tpu.memory_space<vmem>>
    %dma_start3A_75 = arith.constant 0 : i32
    %dma_start3A_76 = tpu.memref_slice %arg5[%dma_start3A_71, %dma_start3A_75] : memref<3x96xi32, #tpu.memory_space<vmem>> -> memref<1x96xi32, #tpu.memory_space<vmem>>
    %dma_start3A_77 = tpu.memref_squeeze %dma_start3A_76 : memref<1x96xi32, #tpu.memory_space<vmem>> -> memref<96xi32, #tpu.memory_space<vmem>>
    %dma_start3A_78 = arith.constant 0 : i32
    %dma_start3A_79 = arith.constant 0 : i32
    %dma_start3A_80 = tpu.memref_slice %arg2[%dma_start3A_78, %dma_start3A_79] : memref<1024x256xf32, #tpu.memory_space<hbm>> -> memref<1024x256xf32, #tpu.memory_space<hbm>>
    tpu.enqueue_indirect_dma source(%dma_start3A_80 : memref<1024x256xf32, #tpu.memory_space<hbm>>) target(%dma_start3A_74 : memref<96x256xf32, #tpu.memory_space<vmem>>) offsets(%dma_start3A_77 : memref<96xi32, #tpu.memory_space<vmem>>) semaphore(%arg7 : memref<!tpu.dma_semaphore, #tpu.memory_space<semaphore_mem>>)
    %dma_start3A_81 = arith.constant 2 : i32
    %dma_start3A_82 = arith.constant 192 : i32
    %dma_start3A_83 = arith.constant 0 : i32
    %dma_start3A_84 = tpu.memref_slice %arg6[%dma_start3A_82, %dma_start3A_83] : memref<288x256xf32, #tpu.memory_space<vmem>> -> memref<96x256xf32, #tpu.memory_space<vmem>>
    %dma_start3A_85 = arith.constant 0 : i32
    %dma_start3A_86 = tpu.memref_slice %arg5[%dma_start3A_81, %dma_start3A_85] : memref<3x96xi32, #tpu.memory_space<vmem>> -> memref<1x96xi32, #tpu.memory_space<vmem>>
    %dma_start3A_87 = tpu.memref_squeeze %dma_start3A_86 : memref<1x96xi32, #tpu.memory_space<vmem>> -> memref<96xi32, #tpu.memory_space<vmem>>
    %dma_start3A_88 = arith.constant 0 : i32
    %dma_start3A_89 = arith.constant 0 : i32
    %dma_start3A_90 = tpu.memref_slice %arg2[%dma_start3A_88, %dma_start3A_89] : memref<1024x256xf32, #tpu.memory_space<hbm>> -> memref<1024x256xf32, #tpu.memory_space<hbm>>
    tpu.enqueue_indirect_dma source(%dma_start3A_90 : memref<1024x256xf32, #tpu.memory_space<hbm>>) target(%dma_start3A_84 : memref<96x256xf32, #tpu.memory_space<vmem>>) offsets(%dma_start3A_87 : memref<96xi32, #tpu.memory_space<vmem>>) semaphore(%arg7 : memref<!tpu.dma_semaphore, #tpu.memory_space<semaphore_mem>>)
    %dma_wait3A_91 = arith.constant 0 : i32
    %dma_wait3A_92 = arith.constant 0 : i32
    %dma_wait3A_93 = arith.constant 0 : i32
    %dma_wait3A_94 = tpu.memref_slice %arg6[%dma_wait3A_92, %dma_wait3A_93] : memref<288x256xf32, #tpu.memory_space<vmem>> -> memref<96x256xf32, #tpu.memory_space<vmem>>
    %dma_wait3A_95 = arith.constant 0 : i32
    %dma_wait3A_96 = tpu.memref_slice %arg5[%dma_wait3A_91, %dma_wait3A_95] : memref<3x96xi32, #tpu.memory_space<vmem>> -> memref<1x96xi32, #tpu.memory_space<vmem>>
    %dma_wait3A_97 = tpu.memref_squeeze %dma_wait3A_96 : memref<1x96xi32, #tpu.memory_space<vmem>> -> memref<96xi32, #tpu.memory_space<vmem>>
    %dma_wait3A_98 = arith.constant 0 : i32
    %dma_wait3A_99 = arith.constant 0 : i32
    %dma_wait3A_100 = tpu.memref_slice %arg2[%dma_wait3A_98, %dma_wait3A_99] : memref<1024x256xf32, #tpu.memory_space<hbm>> -> memref<1024x256xf32, #tpu.memory_space<hbm>>
    tpu.wait_indirect_dma semaphore(%arg7 : memref<!tpu.dma_semaphore, #tpu.memory_space<semaphore_mem>>) src(%dma_wait3A_100 : memref<1024x256xf32, #tpu.memory_space<hbm>>) dst(%dma_wait3A_94 : memref<96x256xf32, #tpu.memory_space<vmem>>)
    %add3A_101 = arith.constant 0 : i32
    %add3A_102 = arith.addi %mul3A_2, %add3A_101 : i32
    %dma_start3A_103 = arith.constant 0 : i32
    %dma_start3A_104 = arith.constant 0 : i32
    %dma_start3A_105 = tpu.memref_slice %arg6[%dma_start3A_103, %dma_start3A_104] : memref<288x256xf32, #tpu.memory_space<vmem>> -> memref<96x256xf32, #tpu.memory_space<vmem>>
    %dma_start3A_106 = arith.constant 0 : i32
    %dma_start3A_107 = tpu.memref_slice %arg4[%add3A_102, %dma_start3A_106] : memref<9216x256xf32, #tpu.memory_space<hbm>> -> memref<96x256xf32, #tpu.memory_space<hbm>>
    %dma_start3A_108 = arith.constant 0 : i32
    %dma_start3A_109 = tpu.memref_slice %arg4[%add3A_102, %dma_start3A_108] : memref<9216x256xf32, #tpu.memory_space<hbm>> -> memref<96x256xf32, #tpu.memory_space<hbm>>
    %dma_start3A_110 = arith.constant 0 : i32
    %dma_start3A_111 = arith.constant 0 : i32
    %dma_start3A_112 = tpu.memref_slice %arg6[%dma_start3A_110, %dma_start3A_111] : memref<288x256xf32, #tpu.memory_space<vmem>> -> memref<96x256xf32, #tpu.memory_space<vmem>>
    tpu.enqueue_dma source(%dma_start3A_112 : memref<96x256xf32, #tpu.memory_space<vmem>>) target(%dma_start3A_109 : memref<96x256xf32, #tpu.memory_space<hbm>>) target_semaphore(%arg8 : memref<!tpu.dma_semaphore, #tpu.memory_space<semaphore_mem>>)
    %dma_wait3A_113 = arith.constant 1 : i32
    %dma_wait3A_114 = arith.constant 96 : i32
    %dma_wait3A_115 = arith.constant 0 : i32
    %dma_wait3A_116 = tpu.memref_slice %arg6[%dma_wait3A_114, %dma_wait3A_115] : memref<288x256xf32, #tpu.memory_space<vmem>> -> memref<96x256xf32, #tpu.memory_space<vmem>>
    %dma_wait3A_117 = arith.constant 0 : i32
    %dma_wait3A_118 = tpu.memref_slice %arg5[%dma_wait3A_113, %dma_wait3A_117] : memref<3x96xi32, #tpu.memory_space<vmem>> -> memref<1x96xi32, #tpu.memory_space<vmem>>
    %dma_wait3A_119 = tpu.memref_squeeze %dma_wait3A_118 : memref<1x96xi32, #tpu.memory_space<vmem>> -> memref<96xi32, #tpu.memory_space<vmem>>
    %dma_wait3A_120 = arith.constant 0 : i32
    %dma_wait3A_121 = arith.constant 0 : i32
    %dma_wait3A_122 = tpu.memref_slice %arg2[%dma_wait3A_120, %dma_wait3A_121] : memref<1024x256xf32, #tpu.memory_space<hbm>> -> memref<1024x256xf32, #tpu.memory_space<hbm>>
    tpu.wait_indirect_dma semaphore(%arg7 : memref<!tpu.dma_semaphore, #tpu.memory_space<semaphore_mem>>) src(%dma_wait3A_122 : memref<1024x256xf32, #tpu.memory_space<hbm>>) dst(%dma_wait3A_116 : memref<96x256xf32, #tpu.memory_space<vmem>>)
    %add3A_123 = arith.constant 96 : i32
    %add3A_124 = arith.addi %mul3A_2, %add3A_123 : i32
    %dma_start3A_125 = arith.constant 96 : i32
    %dma_start3A_126 = arith.constant 0 : i32
    %dma_start3A_127 = tpu.memref_slice %arg6[%dma_start3A_125, %dma_start3A_126] : memref<288x256xf32, #tpu.memory_space<vmem>> -> memref<96x256xf32, #tpu.memory_space<vmem>>
    %dma_start3A_128 = arith.constant 0 : i32
    %dma_start3A_129 = tpu.memref_slice %arg4[%add3A_124, %dma_start3A_128] : memref<9216x256xf32, #tpu.memory_space<hbm>> -> memref<96x256xf32, #tpu.memory_space<hbm>>
    %dma_start3A_130 = arith.constant 0 : i32
    %dma_start3A_131 = tpu.memref_slice %arg4[%add3A_124, %dma_start3A_130] : memref<9216x256xf32, #tpu.memory_space<hbm>> -> memref<96x256xf32, #tpu.memory_space<hbm>>
    %dma_start3A_132 = arith.constant 96 : i32
    %dma_start3A_133 = arith.constant 0 : i32
    %dma_start3A_134 = tpu.memref_slice %arg6[%dma_start3A_132, %dma_start3A_133] : memref<288x256xf32, #tpu.memory_space<vmem>> -> memref<96x256xf32, #tpu.memory_space<vmem>>
    tpu.enqueue_dma source(%dma_start3A_134 : memref<96x256xf32, #tpu.memory_space<vmem>>) target(%dma_start3A_131 : memref<96x256xf32, #tpu.memory_space<hbm>>) target_semaphore(%arg8 : memref<!tpu.dma_semaphore, #tpu.memory_space<semaphore_mem>>)
    %dma_wait3A_135 = arith.constant 2 : i32
    %dma_wait3A_136 = arith.constant 192 : i32
    %dma_wait3A_137 = arith.constant 0 : i32
    %dma_wait3A_138 = tpu.memref_slice %arg6[%dma_wait3A_136, %dma_wait3A_137] : memref<288x256xf32, #tpu.memory_space<vmem>> -> memref<96x256xf32, #tpu.memory_space<vmem>>
    %dma_wait3A_139 = arith.constant 0 : i32
    %dma_wait3A_140 = tpu.memref_slice %arg5[%dma_wait3A_135, %dma_wait3A_139] : memref<3x96xi32, #tpu.memory_space<vmem>> -> memref<1x96xi32, #tpu.memory_space<vmem>>
    %dma_wait3A_141 = tpu.memref_squeeze %dma_wait3A_140 : memref<1x96xi32, #tpu.memory_space<vmem>> -> memref<96xi32, #tpu.memory_space<vmem>>
    %dma_wait3A_142 = arith.constant 0 : i32
    %dma_wait3A_143 = arith.constant 0 : i32
    %dma_wait3A_144 = tpu.memref_slice %arg2[%dma_wait3A_142, %dma_wait3A_143] : memref<1024x256xf32, #tpu.memory_space<hbm>> -> memref<1024x256xf32, #tpu.memory_space<hbm>>
    tpu.wait_indirect_dma semaphore(%arg7 : memref<!tpu.dma_semaphore, #tpu.memory_space<semaphore_mem>>) src(%dma_wait3A_144 : memref<1024x256xf32, #tpu.memory_space<hbm>>) dst(%dma_wait3A_138 : memref<96x256xf32, #tpu.memory_space<vmem>>)
    %add3A_145 = arith.constant 192 : i32
    %add3A_146 = arith.addi %mul3A_2, %add3A_145 : i32
    %dma_start3A_147 = arith.constant 192 : i32
    %dma_start3A_148 = arith.constant 0 : i32
    %dma_start3A_149 = tpu.memref_slice %arg6[%dma_start3A_147, %dma_start3A_148] : memref<288x256xf32, #tpu.memory_space<vmem>> -> memref<96x256xf32, #tpu.memory_space<vmem>>
    %dma_start3A_150 = arith.constant 0 : i32
    %dma_start3A_151 = tpu.memref_slice %arg4[%add3A_146, %dma_start3A_150] : memref<9216x256xf32, #tpu.memory_space<hbm>> -> memref<96x256xf32, #tpu.memory_space<hbm>>
    %dma_start3A_152 = arith.constant 0 : i32
    %dma_start3A_153 = tpu.memref_slice %arg4[%add3A_146, %dma_start3A_152] : memref<9216x256xf32, #tpu.memory_space<hbm>> -> memref<96x256xf32, #tpu.memory_space<hbm>>
    %dma_start3A_154 = arith.constant 192 : i32
    %dma_start3A_155 = arith.constant 0 : i32
    %dma_start3A_156 = tpu.memref_slice %arg6[%dma_start3A_154, %dma_start3A_155] : memref<288x256xf32, #tpu.memory_space<vmem>> -> memref<96x256xf32, #tpu.memory_space<vmem>>
    tpu.enqueue_dma source(%dma_start3A_156 : memref<96x256xf32, #tpu.memory_space<vmem>>) target(%dma_start3A_153 : memref<96x256xf32, #tpu.memory_space<hbm>>) target_semaphore(%arg8 : memref<!tpu.dma_semaphore, #tpu.memory_space<semaphore_mem>>)
    %dma_wait3A_157 = arith.constant 0 : i32
    %dma_wait3A_158 = arith.constant 0 : i32
    %dma_wait3A_159 = tpu.memref_slice %arg6[%dma_wait3A_157, %dma_wait3A_158] : memref<288x256xf32, #tpu.memory_space<vmem>> -> memref<96x256xf32, #tpu.memory_space<vmem>>
    %dma_wait3A_160 = arith.constant 0 : i32
    %dma_wait3A_161 = tpu.memref_slice %arg4[%add3A_102, %dma_wait3A_160] : memref<9216x256xf32, #tpu.memory_space<hbm>> -> memref<96x256xf32, #tpu.memory_space<hbm>>
    %dma_wait3A_162 = arith.constant 0 : i32
    %dma_wait3A_163 = tpu.memref_slice %arg4[%add3A_102, %dma_wait3A_162] : memref<9216x256xf32, #tpu.memory_space<hbm>> -> memref<96x256xf32, #tpu.memory_space<hbm>>
    %dma_wait3A_164 = arith.constant 0 : i32
    %dma_wait3A_165 = arith.constant 0 : i32
    %dma_wait3A_166 = tpu.memref_slice %arg6[%dma_wait3A_164, %dma_wait3A_165] : memref<288x256xf32, #tpu.memory_space<vmem>> -> memref<96x256xf32, #tpu.memory_space<vmem>>
    tpu.wait_dma2 semaphore(%arg8 : memref<!tpu.dma_semaphore, #tpu.memory_space<semaphore_mem>>) src(%dma_wait3A_166 : memref<96x256xf32, #tpu.memory_space<vmem>>) dst(%dma_wait3A_163 : memref<96x256xf32, #tpu.memory_space<hbm>>)
    %dma_wait3A_167 = arith.constant 96 : i32
    %dma_wait3A_168 = arith.constant 0 : i32
    %dma_wait3A_169 = tpu.memref_slice %arg6[%dma_wait3A_167, %dma_wait3A_168] : memref<288x256xf32, #tpu.memory_space<vmem>> -> memref<96x256xf32, #tpu.memory_space<vmem>>
    %dma_wait3A_170 = arith.constant 0 : i32
    %dma_wait3A_171 = tpu.memref_slice %arg4[%add3A_124, %dma_wait3A_170] : memref<9216x256xf32, #tpu.memory_space<hbm>> -> memref<96x256xf32, #tpu.memory_space<hbm>>
    %dma_wait3A_172 = arith.constant 0 : i32
    %dma_wait3A_173 = tpu.memref_slice %arg4[%add3A_124, %dma_wait3A_172] : memref<9216x256xf32, #tpu.memory_space<hbm>> -> memref<96x256xf32, #tpu.memory_space<hbm>>
    %dma_wait3A_174 = arith.constant 96 : i32
    %dma_wait3A_175 = arith.constant 0 : i32
    %dma_wait3A_176 = tpu.memref_slice %arg6[%dma_wait3A_174, %dma_wait3A_175] : memref<288x256xf32, #tpu.memory_space<vmem>> -> memref<96x256xf32, #tpu.memory_space<vmem>>
    tpu.wait_dma2 semaphore(%arg8 : memref<!tpu.dma_semaphore, #tpu.memory_space<semaphore_mem>>) src(%dma_wait3A_176 : memref<96x256xf32, #tpu.memory_space<vmem>>) dst(%dma_wait3A_173 : memref<96x256xf32, #tpu.memory_space<hbm>>)
    %dma_wait3A_177 = arith.constant 192 : i32
    %dma_wait3A_178 = arith.constant 0 : i32
    %dma_wait3A_179 = tpu.memref_slice %arg6[%dma_wait3A_177, %dma_wait3A_178] : memref<288x256xf32, #tpu.memory_space<vmem>> -> memref<96x256xf32, #tpu.memory_space<vmem>>
    %dma_wait3A_180 = arith.constant 0 : i32
    %dma_wait3A_181 = tpu.memref_slice %arg4[%add3A_146, %dma_wait3A_180] : memref<9216x256xf32, #tpu.memory_space<hbm>> -> memref<96x256xf32, #tpu.memory_space<hbm>>
    %dma_wait3A_182 = arith.constant 0 : i32
    %dma_wait3A_183 = tpu.memref_slice %arg4[%add3A_146, %dma_wait3A_182] : memref<9216x256xf32, #tpu.memory_space<hbm>> -> memref<96x256xf32, #tpu.memory_space<hbm>>
    %dma_wait3A_184 = arith.constant 192 : i32
    %dma_wait3A_185 = arith.constant 0 : i32
    %dma_wait3A_186 = tpu.memref_slice %arg6[%dma_wait3A_184, %dma_wait3A_185] : memref<288x256xf32, #tpu.memory_space<vmem>> -> memref<96x256xf32, #tpu.memory_space<vmem>>
    tpu.wait_dma2 semaphore(%arg8 : memref<!tpu.dma_semaphore, #tpu.memory_space<semaphore_mem>>) src(%dma_wait3A_186 : memref<96x256xf32, #tpu.memory_space<vmem>>) dst(%dma_wait3A_183 : memref<96x256xf32, #tpu.memory_space<hbm>>)
    return
  }
}

module attributes {stable_mosaic.version = 14 : i64} {
  func.func @_fused_body(%arg0: i32, %arg1: memref<2304x256xf32, #tpu.memory_space<vmem>>, %arg2: memref<1024x256xf32, #tpu.memory_space<vmem>>, %arg3: memref<2304x1024xf32, #tpu.memory_space<vmem>>, %arg4: memref<2304x1xi32, #tpu.memory_space<vmem>>, %arg5: memref<1x1x1xf32, #tpu.memory_space<smem>>) attributes {dimension_semantics = [#tpu.dimension_semantics<arbitrary>], iteration_bounds = array<i64: 4>, scalar_prefetch = 0 : i64, scratch_operands = 0 : i64, tpu.core_type = #tpu.core_type<tc>, window_params = [{transform_indices = @transform_0, window_bounds = array<i64: 2304, 256>}, {pipeline_mode = #tpu.pipeline_mode<synchronous>, transform_indices = @transform_1, window_bounds = array<i64: 1024, 256>}, {transform_indices = @transform_2, window_bounds = array<i64: 2304, 1024>}, {transform_indices = @transform_3, window_bounds = array<i64: 2304, 1>}, {transform_indices = @transform_4, window_bounds = array<i64: 1, 1, 1>}]} {
    %get3A = arith.constant 0 : index
    %get3A_0 = arith.constant 0 : index
    %get3A_1 = vector.load %arg1[%get3A, %get3A_0] : memref<2304x256xf32, #tpu.memory_space<vmem>>, vector<2304x256xf32>
    %get3A_2 = arith.constant 0 : index
    %get3A_3 = arith.constant 0 : index
    %get3A_4 = vector.load %arg2[%get3A_2, %get3A_3] : memref<1024x256xf32, #tpu.memory_space<vmem>>, vector<1024x256xf32>
    %mul3A = arith.mulf %get3A_1, %get3A_1 : vector<2304x256xf32>
    %reduce_sum3A = arith.constant dense<0.000000e+00> : vector<2304xf32>
    %reduce_sum3A_5 = vector.multi_reduction <add>, %mul3A, %reduce_sum3A [1] : vector<2304x256xf32> to vector<2304xf32>
    %broadcast_in_dim3A = vector.shape_cast %reduce_sum3A_5 : vector<2304xf32> to vector<2304x1xf32>
    %mul3A_6 = arith.mulf %get3A_4, %get3A_4 : vector<1024x256xf32>
    %reduce_sum3A_7 = arith.constant dense<0.000000e+00> : vector<1024xf32>
    %reduce_sum3A_8 = vector.multi_reduction <add>, %mul3A_6, %reduce_sum3A_7 [1] : vector<1024x256xf32> to vector<1024xf32>
    %add3A = arith.addf %get3A_4, %get3A_4 : vector<1024x256xf32>
    %dot_general3A = arith.constant dense<0.000000e+00> : vector<2304x1024xf32>
    %dot_general3A_9 = tpu.matmul %get3A_1, %add3A, %dot_general3A {dimension_numbers = #tpu.dot_dimension_numbers<[1], [1], [0], [0], [0, 0, 1, 0], [], []>, transpose_lhs_hint = false} : vector<2304x256xf32>, vector<1024x256xf32>, vector<2304x1024xf32> -> vector<2304x1024xf32>
    %broadcast_in_dim3A_10 = vector.shape_cast %reduce_sum3A_8 : vector<1024xf32> to vector<1x1024xf32>
    %add3A_11 = vector.broadcast %broadcast_in_dim3A : vector<2304x1xf32> to vector<2304x1024xf32>
    %add3A_12 = vector.broadcast %broadcast_in_dim3A_10 : vector<1x1024xf32> to vector<2304x1024xf32>
    %add3A_13 = arith.addf %add3A_11, %add3A_12 : vector<2304x1024xf32>
    %sub3A = arith.subf %add3A_13, %dot_general3A_9 : vector<2304x1024xf32>
    %reduce_min3A = arith.constant dense<0x7F800000> : vector<2304xf32>
    %reduce_min3A_14 = vector.multi_reduction <minimumf>, %sub3A, %reduce_min3A [1] : vector<2304x1024xf32> to vector<2304xf32>
    %broadcast_in_dim3A_15 = vector.shape_cast %reduce_min3A_14 : vector<2304xf32> to vector<2304x1xf32>
    %iota3A = tpu.iota {dimensions = array<i32: 1>} : vector<2304x1024xi32>
    %eq3A = vector.broadcast %broadcast_in_dim3A_15 : vector<2304x1xf32> to vector<2304x1024xf32>
    %eq3A_16 = arith.cmpf oeq, %sub3A, %eq3A : vector<2304x1024xf32>
    %jit3A = arith.constant 1024 : i32
    %broadcast_in_dim3A_17 = vector.broadcast %jit3A : i32 to vector<2304x1024xi32>
    %select_n3A = arith.select %eq3A_16, %iota3A, %broadcast_in_dim3A_17 : vector<2304x1024xi1>, vector<2304x1024xi32>
    %reduce_min3A_18 = arith.constant dense<2147483647> : vector<2304xi32>
    %reduce_min3A_19 = vector.multi_reduction <minsi>, %select_n3A, %reduce_min3A_18 [1] : vector<2304x1024xi32> to vector<2304xi32>
    %broadcast_in_dim3A_20 = vector.shape_cast %reduce_min3A_19 : vector<2304xi32> to vector<2304x1xi32>
    %eq3A_21 = vector.broadcast %broadcast_in_dim3A_20 : vector<2304x1xi32> to vector<2304x1024xi32>
    %eq3A_22 = arith.cmpi eq, %iota3A, %eq3A_21 : vector<2304x1024xi32>
    %convert_element_type3A = arith.extui %eq3A_22 : vector<2304x1024xi1> to vector<2304x1024xi32>
    %convert_element_type3A_23 = arith.sitofp %convert_element_type3A : vector<2304x1024xi32> to vector<2304x1024xf32>
    %swap3A = arith.constant 0 : index
    %swap3A_24 = arith.constant 0 : index
    %swap3A_25 = vector.load %arg3[%swap3A, %swap3A_24] : memref<2304x1024xf32, #tpu.memory_space<vmem>>, vector<2304x1024xf32>
    tpu.vector_store %arg3[%swap3A, %swap3A_24], %convert_element_type3A_23 {strides = array<i32>} : memref<2304x1024xf32, #tpu.memory_space<vmem>>, vector<2304x1024xf32>,
    %broadcast_in_dim3A_26 = vector.shape_cast %reduce_min3A_19 : vector<2304xi32> to vector<2304x1xi32>
    %swap3A_27 = arith.constant 0 : index
    %swap3A_28 = arith.constant 0 : index
    %swap3A_29 = vector.load %arg4[%swap3A_27, %swap3A_28] : memref<2304x1xi32, #tpu.memory_space<vmem>>, vector<2304x1xi32>
    tpu.vector_store %arg4[%swap3A_27, %swap3A_28], %broadcast_in_dim3A_26 {strides = array<i32>} : memref<2304x1xi32, #tpu.memory_space<vmem>>, vector<2304x1xi32>,
    %reduce_sum3A_30 = vector.shape_cast %broadcast_in_dim3A_15 : vector<2304x1xf32> to vector<1x2304x1xf32>
    %reduce_sum3A_31 = arith.constant dense<0.000000e+00> : vector<1xf32>
    %reduce_sum3A_32 = vector.multi_reduction <add>, %reduce_sum3A_30, %reduce_sum3A_31 [1, 2] : vector<1x2304x1xf32> to vector<1xf32>
    %reduce_sum3A_33 = vector.shape_cast %reduce_sum3A_32 : vector<1xf32> to vector<1x1x1xf32>
    %reduce_sum3A_34 = vector.extract %reduce_sum3A_33[0, 0, 0] : f32 from vector<1x1x1xf32>
    %swap3A_35 = arith.constant 0 : index
    %swap3A_36 = arith.constant 0 : index
    %swap3A_37 = arith.constant 0 : index
    %swap3A_38 = memref.load %arg5[%swap3A_35, %swap3A_36, %swap3A_37] : memref<1x1x1xf32, #tpu.memory_space<smem>>
    memref.store %reduce_sum3A_34, %arg5[%swap3A_35, %swap3A_36, %swap3A_37] : memref<1x1x1xf32, #tpu.memory_space<smem>>
    return
  }
  func.func @transform_0(%arg0: i32) -> (i32, i32) {
    %c0_i32 = arith.constant 0 : i32
    %c0_i32_0 = arith.constant 0 : i32
    return %arg0, %c0_i32 : i32, i32
  }
  func.func @transform_1(%arg0: i32) -> (i32, i32) {
    %c0_i32 = arith.constant 0 : i32
    %c0_i32_0 = arith.constant 0 : i32
    %c0_i32_1 = arith.constant 0 : i32
    return %c0_i32, %c0_i32_0 : i32, i32
  }
  func.func @transform_2(%arg0: i32) -> (i32, i32) {
    %c0_i32 = arith.constant 0 : i32
    %c0_i32_0 = arith.constant 0 : i32
    return %arg0, %c0_i32 : i32, i32
  }
  func.func @transform_3(%arg0: i32) -> (i32, i32) {
    %c0_i32 = arith.constant 0 : i32
    %c0_i32_0 = arith.constant 0 : i32
    return %arg0, %c0_i32 : i32, i32
  }
  func.func @transform_4(%arg0: i32) -> (i32, i32, i32) {
    %c0_i32 = arith.constant 0 : i32
    %c0_i32_0 = arith.constant 0 : i32
    %c0_i32_1 = arith.constant 0 : i32
    return %arg0, %c0_i32, %c0_i32_0 : i32, i32, i32
  }
}

</mosaic_0001>

<sc_bundles>
// kernel: kernel.4.cloned.1.call-start
scs
__scs_entry_jumppad:
0x0: {  	(pc) =	sbr.rel $0x88, $3  }
0x1: {  	(tag) =	ssettag $0x0;
	lr =	simm.s32 $0x1  }
0x2: {  	[smem:$0x3F9F] =	sst lr;
	_ =	strace $0xD0000000  }
0x3: {  	_ = 	snop  }
0x4: {  	_ = 	snop  }
0x5: {  	_ = 	snop  }
0x6: {  	_ = 	snop  }
0x7: {  	_ = 	snop  }
__scs_overlays_trampoline_lowered:
0x8: {  	[smem:$0x3FAE] =	sst s0  }
0x9: {  	[smem:$0x3FAF] =	sst s1  }
0xa: {  	[smem:$0x3FB0] =	sst s2  }
0xb: {  	[smem:$0x3FB1] =	sst s3  }
0xc: {  	[smem:$0x3FB2] =	sst s4  }
0xd: {  	[smem:$0x3FB3] =	sst s5  }
0xe: {  	[smem:$0x3FB4] =	sst s6  }
0xf: {  	[smem:$0x3FB5] =	sst s7  }
0x10: {  	[smem:$0x3FB6] =	sst s8  }
0x11: {  	[smem:$0x3FB7] =	sst s9;
	s0 =	simm.s32 @!p0 $0x0  }
0x12: {  	s1 =	sld [smem:$0x3F9D];
	s0 =	simm.s32 @p0 $0x1  }
0x13: {  	[smem:$0x3FB8] =	sst s0;
	s0 =	simm.s32 @!p1 $0x0  }
0x14: {  	s2 =	sld [smem:$0x3F9C];
	s0 =	simm.s32 @p1 $0x1  }
0x15: {  	[smem:$0x3FB9] =	sst s0;
	s0 =	simm.s32 @!p2 $0x0  }
0x16: {  	s3 =	sld [smem:$0x3FDB];
	s0 =	simm.s32 @p2 $0x1  }
0x17: {  	s4 =	simm.s32 $0x1BF5;
	[smem:$0x3FBB] =	sst s0  }
0x18: {  	s0 =	sld [smem:$0x3F9E];
	_ =	swait.ge [sflag:s4], $0x0  }
0x19: {  	s7 =	sld [smem:$0x3F9F]  }
0x1a: {  	s8 =	sadd.s32 $0xFFFFE003, lr  }
0x1b: {  	s9 =	sadd.s32 $0xFFFFFEF7, lr;
	s5 =	simm.s32 $0xFFFFFFFF;
	p2 =	slt.u32 s8, $0xFFFFF086  }
0x1c: {  	p1 =	slt.u32 s9, $0xF7A;
	s5 =	simm.s32 @!p2 $0x0  }
0x1d: {  	s5 =	simm.s32 @p1 $0x1;
	p0 =	seq.s32 s7, s2  }
0x1e: {  	s7 =	smul.u32 @!p0 $0xF7A, s2;
	p2 =	seq.s32 @!p0 s5, $0x0  }
0x1f: {  	s9 =	smul.u32 $0xF7A, s1;
	s8 =	simm.s32 @!p0 $0x1BF5;
	p2 =	por !p2, p0  }
0x20: {  	[sflag:s8] =	ssyncset.s32 @!p0 $0xFFFFF086;
	s6 =	sadd.s32 @!p0 s3, s7;
	s7 =	simm.s32 @!p0 $0x108  }
0x21: {  	s3 =	sadd.s32 s3, s9;
	s6 =	sadd.s32 @!p0 $0x88, s6;
	s7 =	simm.s32 @p2 $0x1082  }
0x22: {  	[simem:s7], [sflag:s8] =	dma.local @!p0 [hbm:s6], $0xF7A  }
0x23: {  	s9 =	sor.u32 $0xD0000000, s2;
	s6 =	simm.s32 $0x108;
	_ =	swait.ge @!p0 [sflag:s8], $0x0  }
0x24: {  	s3 =	sadd.s32 $0x88, s3;
	s6 =	simm.s32 @!p1 $0x1082;
	[sflag:s4] =	ssyncset.s32 $0xFFFFF086  }
0x25: {  	[simem:s6], [sflag:s4] =	dma.local [hbm:s3], $0xF7A  }
0x26: {  	[smem:$0x3F9F] =	sst s1;
	(tag) =	ssettag s2;
	_ =	strace s9  }
0x27: {  	s1 =	sld [smem:$0x3FAF]  }
0x28: {  	s2 =	sld [smem:$0x3FB0]  }
0x29: {  	s4 =	sld [smem:$0x3FB2]  }
0x2a: {  	p0 =	seq.s32 s5, $0x0;
	s5 =	sld [smem:$0x3FB3]  }
0x2b: {  	s6 =	sld [smem:$0x3FB4]  }
0x2c: {  	s7 =	sld [smem:$0x3FB5]  }
0x2d: {  	s3 =	simm.s32 $0x108;
	s8 =	sld [smem:$0x3FB6]  }
0x2e: {  	s3 =	simm.s32 @!p0 $0x1082;
	s9 =	sld [smem:$0x3FB7]  }
0x2f: {  	lr =	sadd.s32 s0, s3;
	s0 =	sld [smem:$0x3FAE]  }
0x30: {  	s3 =	sld [smem:$0x3FB1]  }
0x31: {  	[smem:$0x3FBA] =	sst s10  }
0x32: {  	s10 =	sld [smem:$0x3FB8];
	_ =	sdelay $0x3  }
0x33: {  	p0 =	seq.s32 s10, $0x1;
	s10 =	sld [smem:$0x3FBA];
	_ =	sdelay $0x3  }
0x34: {  	[smem:$0x3FBA] =	sst s10  }
0x35: {  	s10 =	sld [smem:$0x3FB9];
	_ =	sdelay $0x3  }
0x36: {  	p1 =	seq.s32 s10, $0x1;
	s10 =	sld [smem:$0x3FBA];
	_ =	sdelay $0x3  }
0x37: {  	[smem:$0x3FBA] =	sst s10  }
0x38: {  	s10 =	sld [smem:$0x3FBB]  }
0x39: {  	_ = 	snop;
	(pc) =	sbr.ind lr, $3  }
0x3a: {  	_ = 	snop  }
0x3b: {  	_ = 	snop  }
0x3c: {  	p2 =	seq.s32 s10, $0x1;
	s10 =	sld [smem:$0x3FBA]  }
0x3d: {  	_ =	shalt  }
0x3e: {  	_ =	shalt  }
0x3f: {  	_ =	shalt  }
0x40: {  	_ =	shalt  }
0x41: {  	_ =	shalt  }
0x42: {  	_ =	shalt  }
0x43: {  	_ =	shalt  }
0x44: {  	_ =	shalt  }
0x45: {  	_ =	shalt  }
0x46: {  	_ =	shalt  }
0x47: {  	_ =	shalt  }
0x48: {  	_ =	shalt  }
0x49: {  	_ =	shalt  }
0x4a: {  	_ =	shalt  }
0x4b: {  	_ =	shalt  }
0x4c: {  	_ =	shalt  }
0x4d: {  	_ =	shalt  }
0x4e: {  	_ =	shalt  }
0x4f: {  	_ =	shalt  }
0x50: {  	_ =	shalt  }
0x51: {  	_ =	shalt  }
0x52: {  	_ =	shalt  }
0x53: {  	_ =	shalt  }
0x54: {  	_ =	shalt  }
0x55: {  	_ =	shalt  }
0x56: {  	_ =	shalt  }
0x57: {  	_ =	shalt  }
0x58: {  	_ =	shalt  }
0x59: {  	_ =	shalt  }
0x5a: {  	_ =	shalt  }
0x5b: {  	_ =	shalt  }
0x5c: {  	_ =	shalt  }
0x5d: {  	_ =	shalt  }
0x5e: {  	_ =	shalt  }
0x5f: {  	_ =	shalt  }
0x60: {  	_ =	shalt  }
0x61: {  	_ =	shalt  }
0x62: {  	_ =	shalt  }
0x63: {  	_ =	shalt  }
0x64: {  	_ =	shalt  }
0x65: {  	_ =	shalt  }
0x66: {  	_ =	shalt  }
0x67: {  	_ =	shalt  }
0x68: {  	_ =	shalt  }
0x69: {  	_ =	shalt  }
0x6a: {  	_ =	shalt  }
0x6b: {  	_ =	shalt  }
0x6c: {  	_ =	shalt  }
0x6d: {  	_ =	shalt  }
0x6e: {  	_ =	shalt  }
0x6f: {  	_ =	shalt  }
0x70: {  	_ =	shalt  }
0x71: {  	_ =	shalt  }
0x72: {  	_ =	shalt  }
0x73: {  	_ =	shalt  }
0x74: {  	_ =	shalt  }
0x75: {  	_ =	shalt  }
0x76: {  	_ =	shalt  }
0x77: {  	_ =	shalt  }
0x78: {  	_ =	shalt  }
0x79: {  	_ =	shalt  }
0x7a: {  	_ =	shalt  }
0x7b: {  	_ =	shalt  }
0x7c: {  	_ =	shalt  }
0x7d: {  	_ =	shalt  }
0x7e: {  	_ =	shalt  }
0x7f: {  	_ =	shalt  }
0x80: {  	_ =	shalt  }
0x81: {  	_ =	shalt  }
0x82: {  	_ =	shalt  }
0x83: {  	_ =	shalt  }
0x84: {  	_ =	shalt  }
0x85: {  	_ =	shalt  }
0x86: {  	_ =	shalt  }
0x87: {  	_ =	shalt  }
.Lfunc_end0:
.L_simem_size_0:
called_computation_lowered:
.L_overlay_start_0:
0x88: {  	s2 =	sld [smem:$0x3FD9]  }
0x89: {  	s3 =	sld [smem:$0x3FFE];
	_ =	sdelay $0x1  }
0x8a: {  	s1 =	srdreg.scid  }
0x8b: {  	s0 =	sand.u32 $0x1, s1  }
0x8c: {  	s14 =	sshll.u32 s0, $0xA;
	s2 =	sadd.s32 s3, s2  }
0x8d: {  	s2 =	sadd.s32 s2, s14  }
0x8e: {  	[smem:$0x3FC6] =	sst s2  }
0x8f: {  	_ = 	snop  }
0x90: {  	s2 =	sld [smem:$0x3FD0];
	_ =	sdelay $0x2  }
0x91: {  	s4 =	simm.s32 $0xA;
	s5 =	simm.s32 $0x10;
	s15 =	sld [smem:$0x3FC8]  }
0x92: {  	[smem:s5], [sflag:s4] =	dma.local [hbm:s2], $0x1  }
0x93: {  	_ =	swait.eq [sflag:s4], $0x1  }
0x94: {  	[sflag:s4] =	ssyncset.done $0x0  }
0x95: {  	[sflag:s4] =	ssyncadd.s32 $0xFFFFFFFF  }
0x96: {  	s16 =	sld [smem:$0x10];
	(tm) =	ssettm $0x1  }
0x97: {  	s17 =	sld [smem:$0x3FFB];
	_ =	sdelay $0x3  }
0x98: {  	_ =	strace s17  }
0x99: {  	s4 =	sld [smem:$0x3FFC];
	_ =	sdelay $0x3  }
0x9a: {  	_ =	strace s4  }
0x9b: {  	s4 =	sld [smem:$0x3FFD];
	_ =	sdelay $0x3  }
0x9c: {  	_ =	strace s4  }
0x9d: {  	_ =	strace $0x8FFFFFFF  }
0x9e: {  	s18 =	sld [smem:$0x3FDB];
	_ =	sdelay $0x1  }
0x9f: {  	s19 =	simm.s32 $_scs_section_size  }
0xa0: {  	s6 =	simm.s32 $_size__tile_overlayer_lowered;
	s7 =	simm.s32 $_tile_overlayer_lowered  }
0xa1: {  	s22 =	simm.s32 $0x1BFF;
	s21 =	sshll.u32 s7, $0x1;
	s4 =	sadd.s32 s19, s18  }
0xa2: {  	s8 =	simm.s32 $0x0;
	s20 =	sshll.u32 s6, $0x1;
	s6 =	sadd.s32 s21, s4  }
0xa3: {  	[timem:s8], [sflag:s22] =	dma.local [hbm:s6], s20  }
0xa4: {  	_ =	swait.ge [sflag:s22], s20  }
0xa5: {  	s5 =	ssub.s32 $0x0, s20;
	[sflag:s22] =	ssyncset.done $0x0  }
0xa6: {  	[sflag:s22] =	ssyncadd.s32 s5;
	_ =	sdelay $0x1  }
0xa7: {  	s23 =	simm.s32 $0x1B8B  }
0xa8: {  	_ =	swait.ge [sflag:s23], $0x1  }
0xa9: {  	[sflag:s23] =	ssyncset.done $0x0  }
0xaa: {  	s25 =	simm.s32 $0x1B8E;
	s24 =	sld [smem:$0x3FFE];
	[sflag:s23] =	ssyncadd.s32 $0xFFFFFFFF  }
0xab: {  	s26 =	simm.s32 $execute0_lowered;
	[smem:$0x3FD2] =	sst s25  }
0xac: {  	s6 =	sshll.u32 s26, $0x1;
	_ =	strace $0x80000046;
	[dreg:$0x1] =	wrdreg $0xFFFFFFFF  }
0xad: {  	s28 =	simm.s32 $_size_execute0_lowered;
	s4 =	sadd.s32 s4, s6;
	[dreg:$0x0] =	wrdreg $0x0  }
0xae: {  	s6 =	sshll.u32 s28, $0x1;
	[dreg:$0x2] =	wrdreg s4  }
0xaf: {  	[dreg:$0x3] =	wrdreg s6  }
0xb0: {  	[dreg:$0x4] =	wrdreg $0xC0  }
0xb1: {  	_ =	task [dreg:s8], $0x5FFFF  }
0xb2: {  	[dreg:$0x1] =	wrdreg $0xFFFFFFFF  }
0xb3: {  	[dreg:$0x0] =	wrdreg $0x60  }
0xb4: {  	[dreg:$0x2] =	wrdreg s15  }
0xb5: {  	[dreg:$0x3] =	wrdreg s24  }
0xb6: {  	[dreg:$0x4] =	wrdreg s16  }
0xb7: {  	[dreg:$0x5] =	wrdreg $0x9  }
0xb8: {  	_ =	task.clear_ibuf [dreg:s8], $0x6FFFF;
	_ =	strace $0x90000046  }
0xb9: {  	s29 =	simm.s32 $0x9;
	_ =	strace $0x80000048  }
0xba: {  	_ =	swait.ge [sflag:s29], $0x1  }
0xbb: {  	[sflag:s29] =	ssyncadd.s32 $0xFFFFFFFF  }
0xbc: {  	_ =	strace $0x90000048  }
0xbd: {  	_ =	sfence  }
0xbe: {  	s30 =	sld [smem:$0x0];
	_ =	sdelay $0x2  }
0xbf: {  	s31 =	sshll.u32 s1, $0xD;
	s1 =	sshrl.u32 s1, $0x2  }
0xc0: {  	s3 =	sand.u32 $0x4000, s31;
	s1 =	sadd.s32 s1, s30  }
0xc1: {  	s0 =	sor.u32 s3, s0;
	s1 =	sshll.u32 s1, $0x11  }
0xc2: {  	s0 =	sor.u32 s1, s0  }
0xc3: {  	s0 =	sadd.s32 $0x8F2B, s0  }
0xc4: {  	[sflag:s0] =	ssyncadd.remote.s32 $0x1  }
0xc5: {  	_ =	sfence.sel $0xFFFF  }
0xc6: {  	[dreg:$0x0] =	wrdreg $0xFFFFFFFF;
	(pc) =	sbr.abs _section_cstart, $3  }
0xc7: {  	[dreg:$0x1] =	wrdreg $0xFFFFFFFF  }
0xc8: {  	_ =	task.clear_ibuf [dreg:s8], $0x2FFFF;
	_ =	strace $0x9FFFFFFF  }
0xc9: {  	(tm) =	ssettm $0x7FFFFFFF  }
tec
execute0_lowered:
.L_overlay_start_1:
0x0: {  	(tag) =	ssettag $0x1  }
0x1: {  	s2 =	srdreg.scid  }
0x2: {  	s0 =	stileid.u32;
	s1 =	rddreg [dreg:$0x0]  }
0x3: {  	s4 =	rddreg [dreg:$0x1];
	s2 =	sand.u32 $0x1, s2;
	s3 =	sshll.u32 s0, $0x1  }
0x4: {  	s6 =	rddreg [dreg:$0x2];
	s5 =	sor.u32 s2, s3;
	s3 =	simm.s32 $0x0  }
0x5: {  	s13 =	simm.s32 $0x80;
	[smem:$0x7FF] =	sst s3  }
0x6: {  	s14 =	simm.s32 $0x100;
	_ =	strace $0x80000047;
	[dreg:$0xa] =	wrdreg s13  }
0x7: {  	s15 =	simm.s32 $0xA00;
	[dreg:$0xb] =	wrdreg s14  }
0x8: {  	s16 =	simm.s32 $0x1200;
	[dreg:$0xc] =	wrdreg s15  }
0x9: {  	s17 =	simm.s32 $0x1A00;
	[dreg:$0xd] =	wrdreg s16  }
0xa: {  	s18 =	simm.s32 $0x2200;
	s19 =	simm.s32 $0x2A00;
	[dreg:$0xe] =	wrdreg s17  }
0xb: {  	s20 =	simm.s32 $0x3200;
	s21 =	simm.s32 $0x3A00;
	[dreg:$0xf] =	wrdreg s18  }
0xc: {  	s23 =	simm.s32 $0x4200;
	s24 =	simm.s32 $0x4A00;
	[dreg:$0x10] =	wrdreg s19  }
0xd: {  	s25 =	simm.s32 $0x5200;
	s26 =	simm.s32 $0x5A00;
	[dreg:$0x11] =	wrdreg s20  }
0xe: {  	s28 =	simm.s32 $0x10200;
	s29 =	simm.s32 $0x10A00;
	[dreg:$0x12] =	wrdreg s21  }
0xf: {  	s30 =	simm.s32 $0x11200;
	s31 =	simm.s32 $0x11A00;
	[dreg:$0x13] =	wrdreg s23  }
0x10: {  	s2 =	ssub.s32 $0x2, s2;
	s7 =	smul.u32 $0x120, s5;
	[dreg:$0x14] =	wrdreg s24  }
0x11: {  	s5 =	smul.u32 $0x2400, s5;
	s22 =	sshrl.u32 s2, $0x1;
	[dreg:$0x15] =	wrdreg s25  }
0x12: {  	s2 =	ssub.s32 s2, s22;
	[dreg:$0x16] =	wrdreg s26;
	s13 =	simm.s32 $0x9200  }
0x13: {  	s14 =	simm.s32 $0x9A00;
	s15 =	simm.s32 $0xA200;
	s16 =	simm.s32 $0xAA00  }
0x14: {  	s17 =	simm.s32 $0xB200;
	s18 =	simm.s32 $0xBA00;
	s19 =	simm.s32 $0xC200  }
0x15: {  	s20 =	simm.s32 $0xCA00;
	s21 =	simm.s32 $0xD200;
	s22 =	simm.s32 $0xDA00  }
0x16: {  	s23 =	simm.s32 $0xE200;
	s24 =	simm.s32 $0xEA00;
	s25 =	simm.s32 $0xF200  }
0x17: {  	s26 =	simm.s32 $0xFA00;
	s8 =	sshrl.u32 s7, $0x3;
	s9 =	sadd.s32 $0x60, s7  }
0x18: {  	s7 =	sadd.s32 $0xC0, s7;
	s8 =	sadd.s32 s4, s8;
	s0 =	sshrl.u32 s9, $0x3  }
0x19: {  	s10 =	sshrl.u32 s7, $0x3;
	[dreg:$0x4] =	wrdreg s8;
	s8 =	sadd.s32 s4, s0  }
0x1a: {  	s9 =	sshll.u32 s9, $0x5;
	s4 =	sadd.s32 s4, s10;
	[dreg:$0x5] =	wrdreg s8  }
0x1b: {  	s11 =	sshll.u32 s7, $0x5;
	s10 =	sadd.s32 s6, s9;
	[dreg:$0x6] =	wrdreg s4  }
0x1c: {  	s7 =	simm.s32 $0x6200;
	s12 =	sadd.s32 s6, s11;
	[dreg:$0x8] =	wrdreg s10  }
0x1d: {  	v2 =	vlaneseq.u32;
	s11 =	simm.s32 $0x8200;
	s8 =	sadd.s32 s6, s5;
	[dreg:$0x9] =	wrdreg s12  }
0x1e: {  	vm0 =	vmmov $0xffff;
	v1 =	vshrl.u32 v2, $0x3;
	s4 =	smax.u32 s2, $0x1;
	s5 =	simm.s32 $0x2;
	s6 =	simm.s32 $0x200  }
0x1f: {  	v0 =	vand.u32 $0x7, v2;
	v2 =	vor.u32 $0x8, v2;
	v1 =	vmul.u32 $0x8, v1;
	s12 =	simm.s32 $0x8A00;
	s2 =	simm.s32 $0x1;
	[dreg:$0x7] =	wrdreg s8  }
.LBB2_1:
0x20: {  	s0 =	rddreg [dreg:$0x4]  }
0x21: {  	s8 =	rddreg [dreg:$0xa]  }
0x22: {  	s9 =	rddreg [dreg:$0x6]  }
0x23: {  	[tilespmem:s3], [sflag:$0x2] =	stream.linear.gather [hbm4b:s0+s3], $0x60, $0x38;
	[tilespmem:$0x12200] =	vst v63  }
0x24: {  	s0 =	rddreg [dreg:$0x5]  }
0x25: {  	[tilespmem:s8], [sflag:$0x2] =	stream.linear.gather [hbm4b:s0+s3], $0x60, $0x38;
	[tilespmem:$0x12200] =	vst v63  }
0x26: {  	s10 =	rddreg [dreg:$0xb]  }
0x27: {  	[tilespmem:s10], [sflag:$0x2] =	stream.linear.gather [hbm4b:s9+s3], $0x60, $0x38;
	[tilespmem:$0x12200] =	vst v63  }
0x28: {  	_ =	swait.ge [sflag:s5], $0x60  }
0x29: {  	[sflag:s5] =	ssyncset.done $0x0  }
0x2a: {  	[sflag:s5] =	ssyncadd.s32 $0xFFFFFFA0  }
0x2b: {  	_ =	swait.ge [sflag:s5], $0x60  }
0x2c: {  	[sflag:s5] =	ssyncset.done $0x0  }
0x2d: {  	[sflag:s5] =	ssyncadd.s32 $0xFFFFFFA0  }
0x2e: {  	_ =	swait.ge [sflag:s5], $0x60  }
0x2f: {  	[sflag:s5] =	ssyncset.done $0x0  }
0x30: {  	[sflag:s5] =	ssyncadd.s32 $0xFFFFFFA0  }
0x31: {  	v3 =	vld [tilespmem:$0x0];
	_ =	sdelay $0x4  }
0x32: {  	v4 =	vshll.u32 v3, $0x1  }
0x33: {  	v3 =	vand.u32 $0x7, v3;
	v4 =	vand.u32 $0xFFFFFFF0, v4  }
0x34: {  	v3 =	vor.u32 v3, v4  }
0x35: {  	v4 =	vperm.xlane v3, v0;
	_ =	sdelay $0x1  }
0x36: {  	v3 =	vperm.xlane v3, v2;
	v4 =	vadd.s32 v1, v4;
	_ =	sdelay $0x1  }
0x37: {  	v3 =	vadd.s32 v1, v3;
	_ =	sdelay $0x2  }
0x38: {  	[tilespmem:s6], [sflag:$0x1] =	stream.indirect_vreg.gather [hbm4b:s1+s3], $0x80, v4, vm0, $0xb8;
	[tilespmem:$0x12200] =	vst v63  }
0x39: {  	s8 =	rddreg [dreg:$0xc]  }
0x3a: {  	[tilespmem:s8], [sflag:$0x1] =	stream.indirect_vreg.gather [hbm4b:s1+s3], $0x80, v3, vm0, $0xb8;
	[tilespmem:$0x12200] =	vst v63  }
0x3b: {  	v3 =	vld [tilespmem:$0x10];
	_ =	sdelay $0x4  }
0x3c: {  	v47 =	vshll.u32 v3, $0x1  }
0x3d: {  	v3 =	vand.u32 $0x7, v3;
	v4 =	vand.u32 $0xFFFFFFF0, v47  }
0x3e: {  	v3 =	vor.u32 v3, v4  }
0x3f: {  	v4 =	vperm.xlane v3, v0;
	_ =	sdelay $0x1  }
0x40: {  	v3 =	vperm.xlane v3, v2;
	v4 =	vadd.s32 v1, v4;
	_ =	sdelay $0x1  }
0x41: {  	v3 =	vadd.s32 v1, v3;
	_ =	sdelay $0x1  }
0x42: {  	s9 =	rddreg [dreg:$0xd]  }
0x43: {  	[tilespmem:s9], [sflag:$0x1] =	stream.indirect_vreg.gather [hbm4b:s1+s3], $0x80, v4, vm0, $0xb8;
	[tilespmem:$0x12200] =	vst v63  }
0x44: {  	s10 =	rddreg [dreg:$0xe]  }
0x45: {  	[tilespmem:s10], [sflag:$0x1] =	stream.indirect_vreg.gather [hbm4b:s1+s3], $0x80, v3, vm0, $0xb8;
	[tilespmem:$0x12200] =	vst v63  }
0x46: {  	v3 =	vld [tilespmem:$0x20];
	_ =	sdelay $0x4  }
0x47: {  	v48 =	vshll.u32 v3, $0x1  }
0x48: {  	v3 =	vand.u32 $0x7, v3;
	v4 =	vand.u32 $0xFFFFFFF0, v48  }
0x49: {  	v3 =	vor.u32 v3, v4  }
0x4a: {  	v4 =	vperm.xlane v3, v0;
	_ =	sdelay $0x1  }
0x4b: {  	v3 =	vperm.xlane v3, v2;
	v4 =	vadd.s32 v1, v4;
	_ =	sdelay $0x1  }
0x4c: {  	v3 =	vadd.s32 v1, v3;
	_ =	sdelay $0x1  }
0x4d: {  	s9 =	rddreg [dreg:$0xf]  }
0x4e: {  	[tilespmem:s9], [sflag:$0x1] =	stream.indirect_vreg.gather [hbm4b:s1+s3], $0x80, v4, vm0, $0xb8;
	[tilespmem:$0x12200] =	vst v63  }
0x4f: {  	s10 =	rddreg [dreg:$0x10]  }
0x50: {  	[tilespmem:s10], [sflag:$0x1] =	stream.indirect_vreg.gather [hbm4b:s1+s3], $0x80, v3, vm0, $0xb8;
	[tilespmem:$0x12200] =	vst v63  }
0x51: {  	v3 =	vld [tilespmem:$0x30];
	_ =	sdelay $0x4  }
0x52: {  	v49 =	vshll.u32 v3, $0x1  }
0x53: {  	v3 =	vand.u32 $0x7, v3;
	v4 =	vand.u32 $0xFFFFFFF0, v49  }
0x54: {  	v3 =	vor.u32 v3, v4  }
0x55: {  	v4 =	vperm.xlane v3, v0;
	_ =	sdelay $0x1  }
0x56: {  	v3 =	vperm.xlane v3, v2;
	v4 =	vadd.s32 v1, v4;
	_ =	sdelay $0x1  }
0x57: {  	v3 =	vadd.s32 v1, v3;
	_ =	sdelay $0x1  }
0x58: {  	s9 =	rddreg [dreg:$0x11]  }
0x59: {  	[tilespmem:s9], [sflag:$0x1] =	stream.indirect_vreg.gather [hbm4b:s1+s3], $0x80, v4, vm0, $0xb8;
	[tilespmem:$0x12200] =	vst v63  }
0x5a: {  	s10 =	rddreg [dreg:$0x12]  }
0x5b: {  	[tilespmem:s10], [sflag:$0x1] =	stream.indirect_vreg.gather [hbm4b:s1+s3], $0x80, v3, vm0, $0xb8;
	[tilespmem:$0x12200] =	vst v63  }
0x5c: {  	v3 =	vld [tilespmem:$0x40];
	_ =	sdelay $0x4  }
0x5d: {  	v50 =	vshll.u32 v3, $0x1  }
0x5e: {  	v3 =	vand.u32 $0x7, v3;
	v4 =	vand.u32 $0xFFFFFFF0, v50  }
0x5f: {  	v3 =	vor.u32 v3, v4  }
0x60: {  	v4 =	vperm.xlane v3, v0;
	_ =	sdelay $0x1  }
0x61: {  	v3 =	vperm.xlane v3, v2;
	v4 =	vadd.s32 v1, v4;
	_ =	sdelay $0x1  }
0x62: {  	v3 =	vadd.s32 v1, v3;
	_ =	sdelay $0x1  }
0x63: {  	s9 =	rddreg [dreg:$0x13]  }
0x64: {  	[tilespmem:s9], [sflag:$0x1] =	stream.indirect_vreg.gather [hbm4b:s1+s3], $0x80, v4, vm0, $0xb8;
	[tilespmem:$0x12200] =	vst v63  }
0x65: {  	s10 =	rddreg [dreg:$0x14]  }
0x66: {  	[tilespmem:s10], [sflag:$0x1] =	stream.indirect_vreg.gather [hbm4b:s1+s3], $0x80, v3, vm0, $0xb8;
	[tilespmem:$0x12200] =	vst v63  }
0x67: {  	v3 =	vld [tilespmem:$0x50];
	_ =	sdelay $0x4  }
0x68: {  	v51 =	vshll.u32 v3, $0x1  }
0x69: {  	v3 =	vand.u32 $0x7, v3;
	v4 =	vand.u32 $0xFFFFFFF0, v51  }
0x6a: {  	v3 =	vor.u32 v3, v4  }
0x6b: {  	v4 =	vperm.xlane v3, v0;
	_ =	sdelay $0x1  }
0x6c: {  	v3 =	vperm.xlane v3, v2;
	v4 =	vadd.s32 v1, v4;
	_ =	sdelay $0x1  }
0x6d: {  	v3 =	vadd.s32 v1, v3;
	_ =	sdelay $0x1  }
0x6e: {  	s9 =	rddreg [dreg:$0x15]  }
0x6f: {  	[tilespmem:s9], [sflag:$0x1] =	stream.indirect_vreg.gather [hbm4b:s1+s3], $0x80, v4, vm0, $0xb8;
	[tilespmem:$0x12200] =	vst v63  }
0x70: {  	s10 =	rddreg [dreg:$0x16]  }
0x71: {  	[tilespmem:s10], [sflag:$0x1] =	stream.indirect_vreg.gather [hbm4b:s1+s3], $0x80, v3, vm0, $0xb8;
	[tilespmem:$0x12200] =	vst v63  }
0x72: {  	v3 =	vld [tilespmem:$0x80];
	_ =	sdelay $0x4  }
0x73: {  	v52 =	vshll.u32 v3, $0x1  }
0x74: {  	v3 =	vand.u32 $0x7, v3;
	v4 =	vand.u32 $0xFFFFFFF0, v52  }
0x75: {  	v3 =	vor.u32 v3, v4  }
0x76: {  	v4 =	vperm.xlane v3, v0;
	_ =	sdelay $0x1  }
0x77: {  	v3 =	vperm.xlane v3, v2;
	v4 =	vadd.s32 v1, v4;
	_ =	sdelay $0x1  }
0x78: {  	v3 =	vadd.s32 v1, v3;
	_ =	sdelay $0x2  }
0x79: {  	[tilespmem:s7], [sflag:$0x1] =	stream.indirect_vreg.gather [hbm4b:s1+s3], $0x80, v4, vm0, $0xb8;
	[tilespmem:$0x12200] =	vst v63  }
0x7a: {  	s8 =	simm.s32 $0x6A00  }
0x7b: {  	[tilespmem:s8], [sflag:$0x1] =	stream.indirect_vreg.gather [hbm4b:s1+s3], $0x80, v3, vm0, $0xb8;
	[tilespmem:$0x12200] =	vst v63  }
0x7c: {  	v3 =	vld [tilespmem:$0x90];
	_ =	sdelay $0x4  }
0x7d: {  	v53 =	vshll.u32 v3, $0x1  }
0x7e: {  	v3 =	vand.u32 $0x7, v3;
	v4 =	vand.u32 $0xFFFFFFF0, v53  }
0x7f: {  	v3 =	vor.u32 v3, v4  }
0x80: {  	v4 =	vperm.xlane v3, v0;
	_ =	sdelay $0x1  }
0x81: {  	v3 =	vperm.xlane v3, v2;
	v4 =	vadd.s32 v1, v4;
	_ =	sdelay $0x1  }
0x82: {  	v3 =	vadd.s32 v1, v3;
	_ =	sdelay $0x1  }
0x83: {  	s9 =	simm.s32 $0x7200  }
0x84: {  	[tilespmem:s9], [sflag:$0x1] =	stream.indirect_vreg.gather [hbm4b:s1+s3], $0x80, v4, vm0, $0xb8;
	[tilespmem:$0x12200] =	vst v63  }
0x85: {  	s10 =	simm.s32 $0x7A00  }
0x86: {  	[tilespmem:s10], [sflag:$0x1] =	stream.indirect_vreg.gather [hbm4b:s1+s3], $0x80, v3, vm0, $0xb8;
	[tilespmem:$0x12200] =	vst v63  }
0x87: {  	v3 =	vld [tilespmem:$0xA0];
	_ =	sdelay $0x4  }
0x88: {  	v54 =	vshll.u32 v3, $0x1  }
0x89: {  	v3 =	vand.u32 $0x7, v3;
	v4 =	vand.u32 $0xFFFFFFF0, v54  }
0x8a: {  	v3 =	vor.u32 v3, v4  }
0x8b: {  	v4 =	vperm.xlane v3, v0;
	_ =	sdelay $0x1  }
0x8c: {  	v3 =	vperm.xlane v3, v2;
	v4 =	vadd.s32 v1, v4;
	_ =	sdelay $0x1  }
0x8d: {  	v3 =	vadd.s32 v1, v3;
	_ =	sdelay $0x2  }
0x8e: {  	[tilespmem:s11], [sflag:$0x1] =	stream.indirect_vreg.gather [hbm4b:s1+s3], $0x80, v4, vm0, $0xb8;
	[tilespmem:$0x12200] =	vst v63  }
0x8f: {  	_ = 	snop  }
0x90: {  	[tilespmem:s12], [sflag:$0x1] =	stream.indirect_vreg.gather [hbm4b:s1+s3], $0x80, v3, vm0, $0xb8;
	[tilespmem:$0x12200] =	vst v63  }
0x91: {  	v3 =	vld [tilespmem:$0xB0];
	_ =	sdelay $0x4  }
0x92: {  	v55 =	vshll.u32 v3, $0x1  }
0x93: {  	v3 =	vand.u32 $0x7, v3;
	v4 =	vand.u32 $0xFFFFFFF0, v55  }
0x94: {  	v3 =	vor.u32 v3, v4  }
0x95: {  	v4 =	vperm.xlane v3, v0;
	_ =	sdelay $0x1  }
0x96: {  	v3 =	vperm.xlane v3, v2;
	v4 =	vadd.s32 v1, v4;
	_ =	sdelay $0x1  }
0x97: {  	v3 =	vadd.s32 v1, v3;
	_ =	sdelay $0x2  }
0x98: {  	[tilespmem:s13], [sflag:$0x1] =	stream.indirect_vreg.gather [hbm4b:s1+s3], $0x80, v4, vm0, $0xb8;
	[tilespmem:$0x12200] =	vst v63  }
0x99: {  	_ = 	snop  }
0x9a: {  	[tilespmem:s14], [sflag:$0x1] =	stream.indirect_vreg.gather [hbm4b:s1+s3], $0x80, v3, vm0, $0xb8;
	[tilespmem:$0x12200] =	vst v63  }
0x9b: {  	v3 =	vld [tilespmem:$0xC0];
	_ =	sdelay $0x4  }
0x9c: {  	v56 =	vshll.u32 v3, $0x1  }
0x9d: {  	v3 =	vand.u32 $0x7, v3;
	v4 =	vand.u32 $0xFFFFFFF0, v56  }
0x9e: {  	v3 =	vor.u32 v3, v4  }
0x9f: {  	v4 =	vperm.xlane v3, v0;
	_ =	sdelay $0x1  }
0xa0: {  	v3 =	vperm.xlane v3, v2;
	v4 =	vadd.s32 v1, v4;
	_ =	sdelay $0x1  }
0xa1: {  	v3 =	vadd.s32 v1, v3;
	_ =	sdelay $0x2  }
0xa2: {  	[tilespmem:s15], [sflag:$0x1] =	stream.indirect_vreg.gather [hbm4b:s1+s3], $0x80, v4, vm0, $0xb8;
	[tilespmem:$0x12200] =	vst v63  }
0xa3: {  	_ = 	snop  }
0xa4: {  	[tilespmem:s16], [sflag:$0x1] =	stream.indirect_vreg.gather [hbm4b:s1+s3], $0x80, v3, vm0, $0xb8;
	[tilespmem:$0x12200] =	vst v63  }
0xa5: {  	v3 =	vld [tilespmem:$0xD0];
	_ =	sdelay $0x4  }
0xa6: {  	v57 =	vshll.u32 v3, $0x1  }
0xa7: {  	v3 =	vand.u32 $0x7, v3;
	v4 =	vand.u32 $0xFFFFFFF0, v57  }
0xa8: {  	v3 =	vor.u32 v3, v4  }
0xa9: {  	v4 =	vperm.xlane v3, v0;
	_ =	sdelay $0x1  }
0xaa: {  	v3 =	vperm.xlane v3, v2;
	v4 =	vadd.s32 v1, v4;
	_ =	sdelay $0x1  }
0xab: {  	v3 =	vadd.s32 v1, v3;
	_ =	sdelay $0x2  }
0xac: {  	[tilespmem:s17], [sflag:$0x1] =	stream.indirect_vreg.gather [hbm4b:s1+s3], $0x80, v4, vm0, $0xb8;
	[tilespmem:$0x12200] =	vst v63  }
0xad: {  	_ = 	snop  }
0xae: {  	[tilespmem:s18], [sflag:$0x1] =	stream.indirect_vreg.gather [hbm4b:s1+s3], $0x80, v3, vm0, $0xb8;
	[tilespmem:$0x12200] =	vst v63  }
0xaf: {  	v3 =	vld [tilespmem:$0x100];
	_ =	sdelay $0x4  }
0xb0: {  	v58 =	vshll.u32 v3, $0x1  }
0xb1: {  	v3 =	vand.u32 $0x7, v3;
	v4 =	vand.u32 $0xFFFFFFF0, v58  }
0xb2: {  	v3 =	vor.u32 v3, v4  }
0xb3: {  	v4 =	vperm.xlane v3, v0;
	_ =	sdelay $0x1  }
0xb4: {  	v3 =	vperm.xlane v3, v2;
	v4 =	vadd.s32 v1, v4;
	_ =	sdelay $0x1  }
0xb5: {  	v3 =	vadd.s32 v1, v3;
	_ =	sdelay $0x2  }
0xb6: {  	[tilespmem:s19], [sflag:$0x1] =	stream.indirect_vreg.gather [hbm4b:s1+s3], $0x80, v4, vm0, $0xb8;
	[tilespmem:$0x12200] =	vst v63  }
0xb7: {  	_ = 	snop  }
0xb8: {  	[tilespmem:s20], [sflag:$0x1] =	stream.indirect_vreg.gather [hbm4b:s1+s3], $0x80, v3, vm0, $0xb8;
	[tilespmem:$0x12200] =	vst v63  }
0xb9: {  	v3 =	vld [tilespmem:$0x110];
	_ =	sdelay $0x4  }
0xba: {  	v59 =	vshll.u32 v3, $0x1  }
0xbb: {  	v3 =	vand.u32 $0x7, v3;
	v4 =	vand.u32 $0xFFFFFFF0, v59  }
0xbc: {  	v3 =	vor.u32 v3, v4  }
0xbd: {  	v4 =	vperm.xlane v3, v0;
	_ =	sdelay $0x1  }
0xbe: {  	v3 =	vperm.xlane v3, v2;
	v4 =	vadd.s32 v1, v4;
	_ =	sdelay $0x1  }
0xbf: {  	v3 =	vadd.s32 v1, v3;
	_ =	sdelay $0x2  }
0xc0: {  	[tilespmem:s21], [sflag:$0x1] =	stream.indirect_vreg.gather [hbm4b:s1+s3], $0x80, v4, vm0, $0xb8;
	[tilespmem:$0x12200] =	vst v63  }
0xc1: {  	_ = 	snop  }
0xc2: {  	[tilespmem:s22], [sflag:$0x1] =	stream.indirect_vreg.gather [hbm4b:s1+s3], $0x80, v3, vm0, $0xb8;
	[tilespmem:$0x12200] =	vst v63  }
0xc3: {  	v3 =	vld [tilespmem:$0x120];
	_ =	sdelay $0x4  }
0xc4: {  	v60 =	vshll.u32 v3, $0x1  }
0xc5: {  	v3 =	vand.u32 $0x7, v3;
	v4 =	vand.u32 $0xFFFFFFF0, v60  }
0xc6: {  	v3 =	vor.u32 v3, v4  }
0xc7: {  	v4 =	vperm.xlane v3, v0;
	_ =	sdelay $0x1  }
0xc8: {  	v3 =	vperm.xlane v3, v2;
	v4 =	vadd.s32 v1, v4;
	_ =	sdelay $0x1  }
0xc9: {  	v3 =	vadd.s32 v1, v3;
	_ =	sdelay $0x2  }
0xca: {  	[tilespmem:s23], [sflag:$0x1] =	stream.indirect_vreg.gather [hbm4b:s1+s3], $0x80, v4, vm0, $0xb8;
	[tilespmem:$0x12200] =	vst v63  }
0xcb: {  	_ = 	snop  }
0xcc: {  	[tilespmem:s24], [sflag:$0x1] =	stream.indirect_vreg.gather [hbm4b:s1+s3], $0x80, v3, vm0, $0xb8;
	[tilespmem:$0x12200] =	vst v63  }
0xcd: {  	v3 =	vld [tilespmem:$0x130];
	_ =	sdelay $0x4  }
0xce: {  	v61 =	vshll.u32 v3, $0x1  }
0xcf: {  	v3 =	vand.u32 $0x7, v3;
	v4 =	vand.u32 $0xFFFFFFF0, v61  }
0xd0: {  	v3 =	vor.u32 v3, v4  }
0xd1: {  	v4 =	vperm.xlane v3, v0;
	_ =	sdelay $0x1  }
0xd2: {  	v3 =	vperm.xlane v3, v2;
	v4 =	vadd.s32 v1, v4;
	_ =	sdelay $0x1  }
0xd3: {  	v3 =	vadd.s32 v1, v3;
	_ =	sdelay $0x2  }
0xd4: {  	[tilespmem:s25], [sflag:$0x1] =	stream.indirect_vreg.gather [hbm4b:s1+s3], $0x80, v4, vm0, $0xb8;
	[tilespmem:$0x12200] =	vst v63  }
0xd5: {  	_ = 	snop  }
0xd6: {  	[tilespmem:s26], [sflag:$0x1] =	stream.indirect_vreg.gather [hbm4b:s1+s3], $0x80, v3, vm0, $0xb8;
	[tilespmem:$0x12200] =	vst v63  }
0xd7: {  	v3 =	vld [tilespmem:$0x140];
	_ =	sdelay $0x4  }
0xd8: {  	v62 =	vshll.u32 v3, $0x1  }
0xd9: {  	v3 =	vand.u32 $0x7, v3;
	v4 =	vand.u32 $0xFFFFFFF0, v62  }
0xda: {  	v3 =	vor.u32 v3, v4  }
0xdb: {  	v4 =	vperm.xlane v3, v0;
	_ =	sdelay $0x1  }
0xdc: {  	v3 =	vperm.xlane v3, v2;
	v4 =	vadd.s32 v1, v4;
	_ =	sdelay $0x1  }
0xdd: {  	v3 =	vadd.s32 v1, v3;
	_ =	sdelay $0x2  }
0xde: {  	[tilespmem:s28], [sflag:$0x1] =	stream.indirect_vreg.gather [hbm4b:s1+s3], $0x80, v4, vm0, $0xb8;
	[tilespmem:$0x12200] =	vst v63  }
0xdf: {  	_ = 	snop  }
0xe0: {  	[tilespmem:s29], [sflag:$0x1] =	stream.indirect_vreg.gather [hbm4b:s1+s3], $0x80, v3, vm0, $0xb8;
	[tilespmem:$0x12200] =	vst v63  }
0xe1: {  	v3 =	vld [tilespmem:$0x150];
	_ =	sdelay $0x4  }
0xe2: {  	v63 =	vshll.u32 v3, $0x1  }
0xe3: {  	v3 =	vand.u32 $0x7, v3;
	v4 =	vand.u32 $0xFFFFFFF0, v63  }
0xe4: {  	v3 =	vor.u32 v3, v4  }
0xe5: {  	v4 =	vperm.xlane v3, v0;
	_ =	sdelay $0x1  }
0xe6: {  	v3 =	vperm.xlane v3, v2;
	v4 =	vadd.s32 v1, v4;
	_ =	sdelay $0x1  }
0xe7: {  	v3 =	vadd.s32 v1, v3;
	_ =	sdelay $0x2  }
0xe8: {  	[tilespmem:s30], [sflag:$0x1] =	stream.indirect_vreg.gather [hbm4b:s1+s3], $0x80, v4, vm0, $0xb8;
	[tilespmem:$0x12200] =	vst v63  }
0xe9: {  	_ = 	snop  }
0xea: {  	[tilespmem:s31], [sflag:$0x1] =	stream.indirect_vreg.gather [hbm4b:s1+s3], $0x80, v3, vm0, $0xb8;
	[tilespmem:$0x12200] =	vst v63  }
0xeb: {  	_ =	swait.ge [sflag:s2], $0x6000  }
0xec: {  	[sflag:s2] =	ssyncset.done $0x0  }
0xed: {  	s8 =	rddreg [dreg:$0x7];
	[sflag:s2] =	ssyncadd.s32 $0xFFFFA000  }
0xee: {  	[hbm4b:s8+s3] =	stream.linear.scatter [tilespmem:s6], [sflag:$0x2], $0x6000, $0x38;
	[tilespmem:$0x12200] =	vst v63  }
0xef: {  	_ =	swait.ge [sflag:s2], $0x6000  }
0xf0: {  	[sflag:s2] =	ssyncset.done $0x0  }
0xf1: {  	s9 =	rddreg [dreg:$0x8];
	[sflag:s2] =	ssyncadd.s32 $0xFFFFA000  }
0xf2: {  	[hbm4b:s9+s3] =	stream.linear.scatter [tilespmem:s7], [sflag:$0x2], $0x6000, $0x38;
	[tilespmem:$0x12200] =	vst v63  }
0xf3: {  	_ =	swait.ge [sflag:s2], $0x6000  }
0xf4: {  	[sflag:s2] =	ssyncset.done $0x0  }
0xf5: {  	s10 =	rddreg [dreg:$0x9];
	[sflag:s2] =	ssyncadd.s32 $0xFFFFA000  }
0xf6: {  	[hbm4b:s10+s3] =	stream.linear.scatter [tilespmem:s19], [sflag:$0x2], $0x6000, $0x38;
	[tilespmem:$0x12200] =	vst v63  }
0xf7: {  	_ =	swait.ge [sflag:s5], $0x6000  }
0xf8: {  	[sflag:s5] =	ssyncset.done $0x0  }
0xf9: {  	[sflag:s5] =	ssyncadd.s32 $0xFFFFA000  }
0xfa: {  	p0 =	sne.s32 s4, $0x1;
	_ =	swait.ge [sflag:s5], $0x6000  }
.Ltmp0:
0xfb: {  	[sflag:s5] =	ssyncset.done $0x0;
	(pc) =	sbr.rel @p0 .LBB2_1-.Ltmp0, $4  }
0xfc: {  	[sflag:s5] =	ssyncadd.s32 $0xFFFFA000  }
0xfd: {  	_ =	swait.ge [sflag:s5], $0x6000  }
0xfe: {  	[sflag:s5] =	ssyncset.done $0x0  }
0xff: {  	s4 =	sadd.s32 $0xFFFFFFFF, s4;
	[sflag:s5] =	ssyncadd.s32 $0xFFFFA000  }
0x100: {  	_ =	sfence.sel $0x180000  }
0x101: {  	[bflag:$0x0] =	sbarrier.arrive $0xFFFF  }
0x102: {  	_ =	strace $0x90000047  }
0x103: {  	s0 =	stileid.u32;
	[bflag:$0x2] =	sbarrier.arrive $0xFFFF  }
0x104: {  	p0 =	sne.s32 s0, $0x0;
	s0 =	rddreg [dreg:$0x3]  }
0x105: {  	s0 =	sadd.s32 @!p0 $0x100000, s0  }
0x106: {  	[sflag:s0] =	ssyncadd.tile.s32 @!p0 $0x1;
	_ =	shalt  }
.Lfunc_end2:
_tile_overlayer_lowered:
.L_overlay_start_2:
0x107: {  	(tag) =	ssettag $0x2  }
0x108: {  	s0 =	rddreg [dreg:$0x0];
	s2 =	stileid.u32  }
0x109: {  	s1 =	rddreg [dreg:$0x1];
	p0 =	sne.s32 s2, $0x0  }
0x10a: {  	s3 =	rddreg [dreg:$0x2];
	[bflag:$0x3] =	sbarrier.arrive $0xFFFF;
	s2 =	simm.s32 @!p0 $0x1C03  }
0x10b: {  	[timem:s3], [sflag:s2] =	dma.local @!p0 [hbm:s0], s1  }
0x10c: {  	s0 =	simm.s32 @!p0 $0x3  }
0x10d: {  	_ =	swait.ge @!p0 [sflag:s0], s1  }
0x10e: {  	s1 =	ssub.s32 @!p0 $0x0, s1;
	[sflag:s0] =	ssyncset.done @!p0 $0x0  }
0x10f: {  	[sflag:s0] =	ssyncadd.s32 @!p0 s1  }
0x110: {  	[bflag:$0x3] =	sbarrier.arrive $0xFFFF  }
0x111: {  	_ =	shalt  }

</sc_bundles>
